<compile_context>
chip_gen: v7x
topology: tpu7x:2x2x1
jax: 0.10.2.dev20260603
libtpu: 0.0.44.dev20260713+nightly
codegen_flags: <defaults>
</compile_context>

<pallas_src>
import functools

import jax
import jax.numpy as jnp
from jax import lax
from jax.experimental import pallas as pl
from jax.experimental.pallas import tpu as pltpu
from jax.experimental.pallas import tpu_sc as plsc

N = 10000
DEG = 32
E = N * DEG
HID = 128
HEADS = 4
DK = HID // HEADS

B_A = 400
B_B = 400

NSLC = 1
ESL = E // NSLC
NW = 32
PER_W = ESL // NW
CH = 80
NCH = PER_W // CH


def _attn_body(f_ref, ex_ref, wq_ref, bq_ref, wk_ref, bk_ref, wv_ref, bv_ref,
               wo_ref, bo_ref, sel_ref, selt_ref, fh_ref, exb_ref):
    b = f_ref.shape[0]
    fb = f_ref[...]
    ex = ex_ref[...]
    exb = ex.astype(jnp.bfloat16)
    exb_ref[...] = exb
    q = jnp.dot(fb.astype(jnp.bfloat16), wq_ref[...],
                preferred_element_type=jnp.float32) + bq_ref[...]
    k = jnp.dot(exb, wk_ref[...], preferred_element_type=jnp.float32) + bk_ref[...]
    v = jnp.dot(exb, wv_ref[...], preferred_element_type=jnp.float32) + bv_ref[...]
    k3 = k.reshape(b, DEG, HID)
    qk = (k3 * q[:, None, :]).reshape(b * DEG, HID)
    s = jnp.dot(qk, sel_ref[...], preferred_element_type=jnp.float32) * (DK ** -0.5)
    e = jnp.exp(s)
    ef = jnp.dot(e, selt_ref[...], preferred_element_type=jnp.float32)
    ef3 = ef.reshape(b, DEG, HID)
    num = jnp.sum(ef3 * v.reshape(b, DEG, HID), axis=1)
    den = jnp.sum(ef3, axis=1)
    x = num / den
    attn = jnp.dot(x.astype(jnp.bfloat16), wo_ref[...],
                   preferred_element_type=jnp.float32) + bo_ref[...]
    fh_ref[...] = attn + fb


def _pairswap(x):
    up = pltpu.roll(x, x.shape[0] - 1, 0)
    dn = pltpu.roll(x, 1, 0)
    par = lax.broadcasted_iota(jnp.int32, x.shape, 0) % 2
    return jnp.where(par == 0, up, dn)


def _edge_body(ex_ref, g_ref, fh_ref, f_ref, wmp_ref, bmp_ref,
               w1_ref, w2_ref, w3_ref, bl_ref, out_ref):
    b = fh_ref.shape[0]
    exb = ex_ref[...]
    g = g_ref[...]
    rev = _pairswap(exb)
    t = jnp.dot(g.astype(jnp.bfloat16) - rev, wmp_ref[...],
                preferred_element_type=jnp.float32) + bmp_ref[...]
    h = jnp.maximum(exb.astype(jnp.float32) + t, 0.0)
    ms = jnp.sum(h.reshape(b, DEG, HID), axis=1)
    out = (jnp.dot(ms.astype(jnp.bfloat16), w1_ref[...],
                   preferred_element_type=jnp.float32)
           + jnp.dot(fh_ref[...].astype(jnp.bfloat16), w2_ref[...],
                     preferred_element_type=jnp.float32)
           + jnp.dot(f_ref[...].astype(jnp.bfloat16), w3_ref[...],
                     preferred_element_type=jnp.float32)
           + bl_ref[...])
    out_ref[...] = out


def _full(shape):
    return pl.BlockSpec(shape, lambda i: (0, 0))


@functools.lru_cache(maxsize=1)
def _sc_gather_fn():
    mesh = plsc.VectorSubcoreMesh(core_axis_name="c", subcore_axis_name="s")

    @functools.partial(
        pl.kernel,
        mesh=mesh,
        out_type=jax.ShapeDtypeStruct((ESL, HID), jnp.float32),
        scratch_types=[
            pltpu.VMEM((NCH, CH), jnp.int32),
            pltpu.VMEM((CH, HID), jnp.float32),
            pltpu.VMEM((CH, HID), jnp.float32),
            pltpu.VMEM_SHARED((N, HID), jnp.float32),
            pltpu.SemaphoreType.DMA,
            pltpu.SemaphoreType.DMA,
        ],
    )
    def _sc_gather(table_hbm, idx_hbm, out_hbm, idx_v, buf0, buf1, sp,
                   sem0, sem1):
        sid = lax.axis_index("s")
        w = sid * 2 + lax.axis_index("c")
        @pl.when(sid < 10)
        def _load():
            pltpu.sync_copy(table_hbm.at[pl.ds(sid * 1000, 1000)],
                            sp.at[pl.ds(sid * 1000, 1000)])
        plsc.subcore_barrier()
        pltpu.sync_copy(idx_hbm.at[w], idx_v)
        base = w * PER_W
        table_hbm = sp

        pltpu.async_copy(table_hbm.at[idx_v.at[0]], buf0, sem0)

        def body(i, carry):
            j = 2 * i
            pltpu.async_copy(table_hbm.at[idx_v.at[j + 1]], buf1, sem1)
            pltpu.make_async_copy(table_hbm.at[idx_v.at[j]], buf0, sem0).wait()
            pltpu.sync_copy(buf0, out_hbm.at[pl.ds(base + j * CH, CH)])
            pltpu.async_copy(table_hbm.at[idx_v.at[j + 2]], buf0, sem0)
            pltpu.make_async_copy(table_hbm.at[idx_v.at[j + 1]], buf1, sem1).wait()
            pltpu.sync_copy(buf1, out_hbm.at[pl.ds(base + (j + 1) * CH, CH)])
            return carry

        lax.fori_loop(0, (NCH - 1) // 2, body, 0)
        pltpu.make_async_copy(table_hbm.at[idx_v.at[NCH - 1]], buf0, sem0).wait()
        pltpu.sync_copy(buf0, out_hbm.at[pl.ds(base + (NCH - 1) * CH, CH)])

    return _sc_gather


def kernel(f, edge_src, edge_x, Wq, bq, Wk, bk, Wv, bv, Wo, bo,
           W_mp0, b_mp0, W_last, b_last):
    bf = jnp.bfloat16
    wqT, wkT, wvT, woT, wmpT = (Wq.T.astype(bf), Wk.T.astype(bf),
                                Wv.T.astype(bf), Wo.T.astype(bf),
                                W_mp0.T.astype(bf))
    wlT = W_last.T.astype(bf)
    w1, w2, w3 = wlT[:HID], wlT[HID:2 * HID], wlT[2 * HID:]
    sel = (jnp.arange(HID)[:, None] // DK
           == jnp.arange(HEADS)[None, :]).astype(jnp.float32)
    selt = sel.T
    bq2, bk2, bv2, bo2 = bq[None], bk[None], bv[None], bo[None]
    bmp2, bl2 = b_mp0[None], b_last[None]

    fh = pl.pallas_call(
        _attn_body,
        grid=(N // B_A,),
        in_specs=[
            pl.BlockSpec((B_A, HID), lambda i: (i, 0)),
            pl.BlockSpec((B_A * DEG, HID), lambda i: (i, 0)),
            _full((HID, HID)), _full((1, HID)),
            _full((HID, HID)), _full((1, HID)),
            _full((HID, HID)), _full((1, HID)),
            _full((HID, HID)), _full((1, HID)),
            _full((HID, HEADS)), _full((HEADS, HID)),
        ],
        out_specs=[pl.BlockSpec((B_A, HID), lambda i: (i, 0)),
                   pl.BlockSpec((B_A * DEG, HID), lambda i: (i, 0))],
        out_shape=[jax.ShapeDtypeStruct((N, HID), jnp.float32),
                   jax.ShapeDtypeStruct((E, HID), jnp.bfloat16)],
        compiler_params=pltpu.CompilerParams(
            vmem_limit_bytes=100 * 1024 * 1024),
    )(f, edge_x, wqT, bq2, wkT, bk2, wvT, bv2, woT, bo2, sel, selt)
    fh, exbf = fh

    idx3 = edge_src.reshape(NW, NCH, CH)
    g = _sc_gather_fn()(fh, idx3)

    out = pl.pallas_call(
        _edge_body,
        grid=(N // B_B,),
        in_specs=[
            pl.BlockSpec((B_B * DEG, HID), lambda i: (i, 0)),
            pl.BlockSpec((B_B * DEG, HID), lambda i: (i, 0)),
            pl.BlockSpec((B_B, HID), lambda i: (i, 0)),
            pl.BlockSpec((B_B, HID), lambda i: (i, 0)),
            _full((HID, HID)), _full((1, HID)),
            _full((HID, HID)), _full((HID, HID)), _full((HID, HID)),
            _full((1, HID)),
        ],
        out_specs=pl.BlockSpec((B_B, HID), lambda i: (i, 0)),
        out_shape=jax.ShapeDtypeStruct((N, HID), jnp.float32),
        compiler_params=pltpu.CompilerParams(
            vmem_limit_bytes=100 * 1024 * 1024),
    )(exbf, g, fh, f, wmpT, bmp2, w1, w2, w3, bl2)
    return out

# --- scband reference (transcript-rebuilt; emitter-appended) ---
"""Pipeline reference for scband-mvmp-6975026889044 (READ-ONLY COPY).

The authoritative reference and input builder live on the scoring server;
editing this copy changes nothing except your own understanding.
"""

import jax, jax.numpy as jnp
import numpy as np

N = 10000
DEG = 32
E = N * DEG
HID = 128
HEADS = 4
DEPTH = 2


def setup_inputs(seed: int = 0) -> dict:
    key = jax.random.key(seed)
    ks = [jax.random.fold_in(key, i) for i in range(20)]
    s = 0.05
    f = jax.random.normal(ks[0], (N, HID), dtype=jnp.float32)
    # regular graph: dst = repeat(arange(N), DEG) implicitly; edges grouped by dst node
    edge_src = jax.random.randint(ks[1], (E,), 0, N, dtype=jnp.int32)
    edge_x = jax.random.normal(ks[2], (E, HID), dtype=jnp.float32)
    # MultiHeadedAttention params for etype ('a','b','a') (4 linears: q,k,v,out)
    Wq = jax.random.normal(ks[3], (HID, HID), dtype=jnp.float32) * s
    bq = jax.random.normal(ks[4], (HID,), dtype=jnp.float32) * s
    Wk = jax.random.normal(ks[5], (HID, HID), dtype=jnp.float32) * s
    bk = jax.random.normal(ks[6], (HID,), dtype=jnp.float32) * s
    Wv = jax.random.normal(ks[7], (HID, HID), dtype=jnp.float32) * s
    bv = jax.random.normal(ks[8], (HID,), dtype=jnp.float32) * s
    Wo = jax.random.normal(ks[9], (HID, HID), dtype=jnp.float32) * s
    bo = jax.random.normal(ks[10], (HID,), dtype=jnp.float32) * s
    # mp_list edge-update linear (depth-1 = 1 layer)
    W_mp0 = jax.random.normal(ks[11], (HID, HID), dtype=jnp.float32) * s
    b_mp0 = jax.random.normal(ks[12], (HID,), dtype=jnp.float32) * s
    # node_last_layer for ntype 'a': Linear(3*hid, hid)
    W_last = jax.random.normal(ks[13], (HID, 3 * HID), dtype=jnp.float32) * s
    b_last = jax.random.normal(ks[14], (HID,), dtype=jnp.float32) * s
    return {"f": f, "edge_src": edge_src, "edge_x": edge_x,
            "Wq": Wq, "bq": bq, "Wk": Wk, "bk": bk, "Wv": Wv, "bv": bv,
            "Wo": Wo, "bo": bo, "W_mp0": W_mp0, "b_mp0": b_mp0,
            "W_last": W_last, "b_last": b_last}


def _mha(feat, mail, Wq, bq, Wk, bk, Wv, bv, Wo, bo):
    # feat: [N, HID] (query, seq len 1); mail: [N, DEG, HID] (keys/values)
    n, deg, hid = mail.shape
    dk = hid // HEADS
    q = (feat @ Wq.T + bq).reshape(n, 1, HEADS, dk).transpose(0, 2, 1, 3)
    k = (mail @ Wk.T + bk).reshape(n, deg, HEADS, dk).transpose(0, 2, 1, 3)
    v = (mail @ Wv.T + bv).reshape(n, deg, HEADS, dk).transpose(0, 2, 1, 3)
    scores = jnp.einsum('nhqd,nhkd->nhqk', q, k) / (float(dk) ** 0.5)
    p = jax.nn.softmax(scores, axis=-1)
    x = jnp.einsum('nhqk,nhkd->nhqd', p, v)
    x = x.transpose(0, 2, 1, 3).reshape(n, 1, hid)
    return x @ Wo.T + bo


def reference(f, edge_src, edge_x, Wq, bq, Wk, bk, Wv, bv, Wo, bo, W_mp0, b_mp0, W_last, b_last):
    # init_node: f_h = f.clone(); init_edge: h = x.clone()
    f_h = f
    h_e = edge_x
    W_mps = [W_mp0]
    b_mps = [b_mp0]
    for i in range(DEPTH - 1):
        # multi_update_all: copy_e('h','m') then add_attn per dst node
        mail = h_e.reshape(N, DEG, HID)  # edges grouped by dst (regular in-degree)
        attn_out = _mha(f_h, mail, Wq, bq, Wk, bk, Wv, bv, Wo, bo)  # [N,1,HID]
        f_h = (attn_out + f_h[:, None, :]).squeeze(1)
        # reverse_edge: swap consecutive edge pairs (2k <-> 2k+1)
        rev = h_e.reshape(-1, 2, HID)[:, ::-1, :].reshape(-1, HID)
        # del_reverse_message: m = src[f_h] - rev_h
        m = f_h[edge_src] - rev
        # update_edge: h = relu(x + Linear(m))
        h_e = jax.nn.relu(edge_x + m @ W_mps[i].T + b_mps[i])
    # final multi_update_all: copy_e('h','mail') then update_node
    mail = h_e.reshape(N, DEG, HID)
    out = jnp.concatenate([mail.sum(axis=1), f_h, f], axis=1) @ W_last.T + b_last
    return out

if __name__ == "__main__":
    import jax
    _d = setup_inputs()
    print(jax.jit(kernel)(*tuple(_d.values())))

</pallas_src>

<mosaic_0001>
#map = affine_map<(d0, d1) -> (0, 0)>
#map1 = affine_map<(d0, d1) -> (0, 0, 0)>
module attributes {stable_mosaic.version = 14 : i64} {
  func.func @_sc_gather(%arg0: i32, %arg1: i32, %arg2: memref<10000x128xf32, #tpu.memory_space<hbm>>, %arg3: memref<32x125x80xi32, #tpu.memory_space<hbm>>, %arg4: memref<320000x128xf32, #tpu.memory_space<hbm>>, %arg5: memref<125x80xi32, #tpu.memory_space<vmem>>, %arg6: memref<80x128xf32, #tpu.memory_space<vmem>>, %arg7: memref<80x128xf32, #tpu.memory_space<vmem>>, %arg8: memref<10000x128xf32, #tpu.memory_space<vmem_shared>>, %arg9: memref<!tpu.dma_semaphore, #tpu.memory_space<semaphore_mem>>, %arg10: memref<!tpu.dma_semaphore, #tpu.memory_space<semaphore_mem>>) attributes {dimension_semantics = [#tpu.dimension_semantics<core_parallel>, #tpu.dimension_semantics<subcore_parallel>], iteration_bounds = array<i64: 2, 16>, scalar_prefetch = 0 : i64, scratch_operands = 6 : i64, tpu.core_type = #tpu.core_type<sc_vector_subcore>, window_params = [{transform_indices = #map}, {transform_indices = #map1}, {transform_indices = #map}]} {
    %mul3A = arith.constant 2 : i32
    %mul3A_0 = arith.muli %arg1, %mul3A : i32
    %add3A = arith.addi %mul3A_0, %arg0 : i32
    %lt3A = arith.constant 10 : i32
    %lt3A_1 = arith.cmpi slt, %arg1, %lt3A : i32
    %convert_element_type3A = arith.extui %lt3A_1 : i1 to i32
    %cond3A = arith.constant 0 : i32
    %cond3A_2 = arith.cmpi ne, %convert_element_type3A, %cond3A : i32
    scf.if %cond3A_2 {
      %mul3A_24 = arith.constant 1000 : i32
      %mul3A_25 = arith.muli %arg1, %mul3A_24 : i32
      %mul3A_26 = arith.constant 1000 : i32
      %mul3A_27 = arith.muli %arg1, %mul3A_26 : i32
      "tpu.region"() ({
        %run_scoped3A = tpu.sem_alloc : memref<!tpu.dma_semaphore, #tpu.memory_space<semaphore_mem>>
        %dma_start3A_28 = arith.constant 0 : i32
        %dma_start3A_29 = tpu.memref_slice %arg8[%mul3A_27, %dma_start3A_28] : memref<10000x128xf32, #tpu.memory_space<vmem_shared>> -> memref<1000x128xf32, #tpu.memory_space<vmem_shared>>
        %dma_start3A_30 = arith.constant 0 : i32
        %dma_start3A_31 = tpu.memref_slice %arg2[%mul3A_25, %dma_start3A_30] : memref<10000x128xf32, #tpu.memory_space<hbm>> -> memref<1000x128xf32, #tpu.memory_space<hbm>>
        tpu.enqueue_dma source(%dma_start3A_31 : memref<1000x128xf32, #tpu.memory_space<hbm>>) target(%dma_start3A_29 : memref<1000x128xf32, #tpu.memory_space<vmem_shared>>) target_semaphore(%run_scoped3A : memref<!tpu.dma_semaphore, #tpu.memory_space<semaphore_mem>>)
        %dma_wait3A_32 = arith.constant 0 : i32
        %dma_wait3A_33 = tpu.memref_slice %arg8[%mul3A_27, %dma_wait3A_32] : memref<10000x128xf32, #tpu.memory_space<vmem_shared>> -> memref<1000x128xf32, #tpu.memory_space<vmem_shared>>
        %dma_wait3A_34 = arith.constant 0 : i32
        %dma_wait3A_35 = tpu.memref_slice %arg2[%mul3A_25, %dma_wait3A_34] : memref<10000x128xf32, #tpu.memory_space<hbm>> -> memref<1000x128xf32, #tpu.memory_space<hbm>>
        tpu.wait_dma2 semaphore(%run_scoped3A : memref<!tpu.dma_semaphore, #tpu.memory_space<semaphore_mem>>) src(%dma_wait3A_35 : memref<1000x128xf32, #tpu.memory_space<hbm>>) dst(%dma_wait3A_33 : memref<1000x128xf32, #tpu.memory_space<vmem_shared>>)
        tpu.yield
      }) : () -> ()
    } else {
    }
    %barrier3A = arith.constant 0 : index
    tpu.barrier barrier_id(%barrier3A)
    "tpu.region"() ({
      %run_scoped3A = tpu.sem_alloc : memref<!tpu.dma_semaphore, #tpu.memory_space<semaphore_mem>>
      %dma_start3A_24 = arith.constant 0 : i32
      %dma_start3A_25 = arith.constant 0 : i32
      %dma_start3A_26 = tpu.memref_slice %arg3[%add3A, %dma_start3A_24, %dma_start3A_25] : memref<32x125x80xi32, #tpu.memory_space<hbm>> -> memref<1x125x80xi32, #tpu.memory_space<hbm>>
      %dma_start3A_27 = tpu.memref_squeeze %dma_start3A_26 : memref<1x125x80xi32, #tpu.memory_space<hbm>> -> memref<125x80xi32, #tpu.memory_space<hbm>>
      %dma_start3A_28 = arith.constant 0 : i32
      %dma_start3A_29 = arith.constant 0 : i32
      %dma_start3A_30 = tpu.memref_slice %arg3[%add3A, %dma_start3A_28, %dma_start3A_29] : memref<32x125x80xi32, #tpu.memory_space<hbm>> -> memref<1x125x80xi32, #tpu.memory_space<hbm>>
      %dma_start3A_31 = tpu.memref_squeeze %dma_start3A_30 : memref<1x125x80xi32, #tpu.memory_space<hbm>> -> memref<125x80xi32, #tpu.memory_space<hbm>>
      tpu.enqueue_dma source(%dma_start3A_31 : memref<125x80xi32, #tpu.memory_space<hbm>>) target(%arg5 : memref<125x80xi32, #tpu.memory_space<vmem>>) target_semaphore(%run_scoped3A : memref<!tpu.dma_semaphore, #tpu.memory_space<semaphore_mem>>)
      %dma_wait3A_32 = arith.constant 0 : i32
      %dma_wait3A_33 = arith.constant 0 : i32
      %dma_wait3A_34 = tpu.memref_slice %arg3[%add3A, %dma_wait3A_32, %dma_wait3A_33] : memref<32x125x80xi32, #tpu.memory_space<hbm>> -> memref<1x125x80xi32, #tpu.memory_space<hbm>>
      %dma_wait3A_35 = tpu.memref_squeeze %dma_wait3A_34 : memref<1x125x80xi32, #tpu.memory_space<hbm>> -> memref<125x80xi32, #tpu.memory_space<hbm>>
      %dma_wait3A_36 = arith.constant 0 : i32
      %dma_wait3A_37 = arith.constant 0 : i32
      %dma_wait3A_38 = tpu.memref_slice %arg3[%add3A, %dma_wait3A_36, %dma_wait3A_37] : memref<32x125x80xi32, #tpu.memory_space<hbm>> -> memref<1x125x80xi32, #tpu.memory_space<hbm>>
      %dma_wait3A_39 = tpu.memref_squeeze %dma_wait3A_38 : memref<1x125x80xi32, #tpu.memory_space<hbm>> -> memref<125x80xi32, #tpu.memory_space<hbm>>
      tpu.wait_dma2 semaphore(%run_scoped3A : memref<!tpu.dma_semaphore, #tpu.memory_space<semaphore_mem>>) src(%dma_wait3A_39 : memref<125x80xi32, #tpu.memory_space<hbm>>) dst(%arg5 : memref<125x80xi32, #tpu.memory_space<vmem>>)
      tpu.yield
    }) : () -> ()
    %mul3A_3 = arith.constant 10000 : i32
    %mul3A_4 = arith.muli %add3A, %mul3A_3 : i32
    %dma_start3A = arith.constant 0 : i32
    %dma_start3A_5 = arith.constant 0 : i32
    %dma_start3A_6 = tpu.memref_slice %arg5[%dma_start3A, %dma_start3A_5] : memref<125x80xi32, #tpu.memory_space<vmem>> -> memref<1x80xi32, #tpu.memory_space<vmem>>
    %dma_start3A_7 = tpu.memref_squeeze %dma_start3A_6 : memref<1x80xi32, #tpu.memory_space<vmem>> -> memref<80xi32, #tpu.memory_space<vmem>>
    %dma_start3A_8 = arith.constant 0 : i32
    %dma_start3A_9 = arith.constant 0 : i32
    %dma_start3A_10 = tpu.memref_slice %arg8[%dma_start3A_8, %dma_start3A_9] : memref<10000x128xf32, #tpu.memory_space<vmem_shared>> -> memref<10000x128xf32, #tpu.memory_space<vmem_shared>>
    tpu.enqueue_indirect_dma source(%dma_start3A_10 : memref<10000x128xf32, #tpu.memory_space<vmem_shared>>) target(%arg6 : memref<80x128xf32, #tpu.memory_space<vmem>>) offsets(%dma_start3A_7 : memref<80xi32, #tpu.memory_space<vmem>>) semaphore(%arg9 : memref<!tpu.dma_semaphore, #tpu.memory_space<semaphore_mem>>)
    %scan3A = arith.constant 0 : i32
    %scan3A_11 = arith.constant 0 : i32
    %scan3A_12 = arith.constant 62 : i32
    %scan3A_13 = arith.addi %scan3A_11, %scan3A_12 : i32
    %scan3A_14 = arith.constant 1 : i32
    scf.for %scan3A_24 = %scan3A_11 to %scan3A_13 step %scan3A_14  : i32 {
      %mul3A_25 = arith.constant 2 : i32
      %mul3A_26 = arith.muli %mul3A_25, %scan3A_24 : i32
      %add3A_27 = arith.constant 1 : i32
      %add3A_28 = arith.addi %mul3A_26, %add3A_27 : i32
      %dma_start3A_29 = arith.constant 0 : i32
      %dma_start3A_30 = tpu.memref_slice %arg5[%add3A_28, %dma_start3A_29] : memref<125x80xi32, #tpu.memory_space<vmem>> -> memref<1x80xi32, #tpu.memory_space<vmem>>
      %dma_start3A_31 = tpu.memref_squeeze %dma_start3A_30 : memref<1x80xi32, #tpu.memory_space<vmem>> -> memref<80xi32, #tpu.memory_space<vmem>>
      %dma_start3A_32 = arith.constant 0 : i32
      %dma_start3A_33 = arith.constant 0 : i32
      %dma_start3A_34 = tpu.memref_slice %arg8[%dma_start3A_32, %dma_start3A_33] : memref<10000x128xf32, #tpu.memory_space<vmem_shared>> -> memref<10000x128xf32, #tpu.memory_space<vmem_shared>>
      tpu.enqueue_indirect_dma source(%dma_start3A_34 : memref<10000x128xf32, #tpu.memory_space<vmem_shared>>) target(%arg7 : memref<80x128xf32, #tpu.memory_space<vmem>>) offsets(%dma_start3A_31 : memref<80xi32, #tpu.memory_space<vmem>>) semaphore(%arg10 : memref<!tpu.dma_semaphore, #tpu.memory_space<semaphore_mem>>)
      %dma_wait3A_35 = arith.constant 0 : i32
      %dma_wait3A_36 = tpu.memref_slice %arg5[%mul3A_26, %dma_wait3A_35] : memref<125x80xi32, #tpu.memory_space<vmem>> -> memref<1x80xi32, #tpu.memory_space<vmem>>
      %dma_wait3A_37 = tpu.memref_squeeze %dma_wait3A_36 : memref<1x80xi32, #tpu.memory_space<vmem>> -> memref<80xi32, #tpu.memory_space<vmem>>
      %dma_wait3A_38 = arith.constant 0 : i32
      %dma_wait3A_39 = arith.constant 0 : i32
      %dma_wait3A_40 = tpu.memref_slice %arg8[%dma_wait3A_38, %dma_wait3A_39] : memref<10000x128xf32, #tpu.memory_space<vmem_shared>> -> memref<10000x128xf32, #tpu.memory_space<vmem_shared>>
      tpu.wait_indirect_dma semaphore(%arg9 : memref<!tpu.dma_semaphore, #tpu.memory_space<semaphore_mem>>) src(%dma_wait3A_40 : memref<10000x128xf32, #tpu.memory_space<vmem_shared>>) dst(%arg6 : memref<80x128xf32, #tpu.memory_space<vmem>>)
      %mul3A_41 = arith.constant 80 : i32
      %mul3A_42 = arith.muli %mul3A_26, %mul3A_41 : i32
      %add3A_43 = arith.addi %mul3A_4, %mul3A_42 : i32
      "tpu.region"() ({
        %run_scoped3A = tpu.sem_alloc : memref<!tpu.dma_semaphore, #tpu.memory_space<semaphore_mem>>
        %dma_start3A_65 = arith.constant 0 : i32
        %dma_start3A_66 = tpu.memref_slice %arg4[%add3A_43, %dma_start3A_65] : memref<320000x128xf32, #tpu.memory_space<hbm>> -> memref<80x128xf32, #tpu.memory_space<hbm>>
        %dma_start3A_67 = arith.constant 0 : i32
        %dma_start3A_68 = tpu.memref_slice %arg4[%add3A_43, %dma_start3A_67] : memref<320000x128xf32, #tpu.memory_space<hbm>> -> memref<80x128xf32, #tpu.memory_space<hbm>>
        tpu.enqueue_dma source(%arg6 : memref<80x128xf32, #tpu.memory_space<vmem>>) target(%dma_start3A_68 : memref<80x128xf32, #tpu.memory_space<hbm>>) target_semaphore(%run_scoped3A : memref<!tpu.dma_semaphore, #tpu.memory_space<semaphore_mem>>)
        %dma_wait3A_69 = arith.constant 0 : i32
        %dma_wait3A_70 = tpu.memref_slice %arg4[%add3A_43, %dma_wait3A_69] : memref<320000x128xf32, #tpu.memory_space<hbm>> -> memref<80x128xf32, #tpu.memory_space<hbm>>
        %dma_wait3A_71 = arith.constant 0 : i32
        %dma_wait3A_72 = tpu.memref_slice %arg4[%add3A_43, %dma_wait3A_71] : memref<320000x128xf32, #tpu.memory_space<hbm>> -> memref<80x128xf32, #tpu.memory_space<hbm>>
        tpu.wait_dma2 semaphore(%run_scoped3A : memref<!tpu.dma_semaphore, #tpu.memory_space<semaphore_mem>>) src(%arg6 : memref<80x128xf32, #tpu.memory_space<vmem>>) dst(%dma_wait3A_72 : memref<80x128xf32, #tpu.memory_space<hbm>>)
        tpu.yield
      }) : () -> ()
      %add3A_44 = arith.constant 2 : i32
      %add3A_45 = arith.addi %mul3A_26, %add3A_44 : i32
      %dma_start3A_46 = arith.constant 0 : i32
      %dma_start3A_47 = tpu.memref_slice %arg5[%add3A_45, %dma_start3A_46] : memref<125x80xi32, #tpu.memory_space<vmem>> -> memref<1x80xi32, #tpu.memory_space<vmem>>
      %dma_start3A_48 = tpu.memref_squeeze %dma_start3A_47 : memref<1x80xi32, #tpu.memory_space<vmem>> -> memref<80xi32, #tpu.memory_space<vmem>>
      %dma_start3A_49 = arith.constant 0 : i32
      %dma_start3A_50 = arith.constant 0 : i32
      %dma_start3A_51 = tpu.memref_slice %arg8[%dma_start3A_49, %dma_start3A_50] : memref<10000x128xf32, #tpu.memory_space<vmem_shared>> -> memref<10000x128xf32, #tpu.memory_space<vmem_shared>>
      tpu.enqueue_indirect_dma source(%dma_start3A_51 : memref<10000x128xf32, #tpu.memory_space<vmem_shared>>) target(%arg6 : memref<80x128xf32, #tpu.memory_space<vmem>>) offsets(%dma_start3A_48 : memref<80xi32, #tpu.memory_space<vmem>>) semaphore(%arg9 : memref<!tpu.dma_semaphore, #tpu.memory_space<semaphore_mem>>)
      %add3A_52 = arith.constant 1 : i32
      %add3A_53 = arith.addi %mul3A_26, %add3A_52 : i32
      %dma_wait3A_54 = arith.constant 0 : i32
      %dma_wait3A_55 = tpu.memref_slice %arg5[%add3A_53, %dma_wait3A_54] : memref<125x80xi32, #tpu.memory_space<vmem>> -> memref<1x80xi32, #tpu.memory_space<vmem>>
      %dma_wait3A_56 = tpu.memref_squeeze %dma_wait3A_55 : memref<1x80xi32, #tpu.memory_space<vmem>> -> memref<80xi32, #tpu.memory_space<vmem>>
      %dma_wait3A_57 = arith.constant 0 : i32
      %dma_wait3A_58 = arith.constant 0 : i32
      %dma_wait3A_59 = tpu.memref_slice %arg8[%dma_wait3A_57, %dma_wait3A_58] : memref<10000x128xf32, #tpu.memory_space<vmem_shared>> -> memref<10000x128xf32, #tpu.memory_space<vmem_shared>>
      tpu.wait_indirect_dma semaphore(%arg10 : memref<!tpu.dma_semaphore, #tpu.memory_space<semaphore_mem>>) src(%dma_wait3A_59 : memref<10000x128xf32, #tpu.memory_space<vmem_shared>>) dst(%arg7 : memref<80x128xf32, #tpu.memory_space<vmem>>)
      %add3A_60 = arith.constant 1 : i32
      %add3A_61 = arith.addi %mul3A_26, %add3A_60 : i32
      %mul3A_62 = arith.constant 80 : i32
      %mul3A_63 = arith.muli %add3A_61, %mul3A_62 : i32
      %add3A_64 = arith.addi %mul3A_4, %mul3A_63 : i32
      "tpu.region"() ({
        %run_scoped3A = tpu.sem_alloc : memref<!tpu.dma_semaphore, #tpu.memory_space<semaphore_mem>>
        %dma_start3A_65 = arith.constant 0 : i32
        %dma_start3A_66 = tpu.memref_slice %arg4[%add3A_64, %dma_start3A_65] : memref<320000x128xf32, #tpu.memory_space<hbm>> -> memref<80x128xf32, #tpu.memory_space<hbm>>
        %dma_start3A_67 = arith.constant 0 : i32
        %dma_start3A_68 = tpu.memref_slice %arg4[%add3A_64, %dma_start3A_67] : memref<320000x128xf32, #tpu.memory_space<hbm>> -> memref<80x128xf32, #tpu.memory_space<hbm>>
        tpu.enqueue_dma source(%arg7 : memref<80x128xf32, #tpu.memory_space<vmem>>) target(%dma_start3A_68 : memref<80x128xf32, #tpu.memory_space<hbm>>) target_semaphore(%run_scoped3A : memref<!tpu.dma_semaphore, #tpu.memory_space<semaphore_mem>>)
        %dma_wait3A_69 = arith.constant 0 : i32
        %dma_wait3A_70 = tpu.memref_slice %arg4[%add3A_64, %dma_wait3A_69] : memref<320000x128xf32, #tpu.memory_space<hbm>> -> memref<80x128xf32, #tpu.memory_space<hbm>>
        %dma_wait3A_71 = arith.constant 0 : i32
        %dma_wait3A_72 = tpu.memref_slice %arg4[%add3A_64, %dma_wait3A_71] : memref<320000x128xf32, #tpu.memory_space<hbm>> -> memref<80x128xf32, #tpu.memory_space<hbm>>
        tpu.wait_dma2 semaphore(%run_scoped3A : memref<!tpu.dma_semaphore, #tpu.memory_space<semaphore_mem>>) src(%arg7 : memref<80x128xf32, #tpu.memory_space<vmem>>) dst(%dma_wait3A_72 : memref<80x128xf32, #tpu.memory_space<hbm>>)
        tpu.yield
      }) : () -> ()
    }
    %scan3A_15 = arith.constant 62 : i32
    %dma_wait3A = arith.constant 124 : i32
    %dma_wait3A_16 = arith.constant 0 : i32
    %dma_wait3A_17 = tpu.memref_slice %arg5[%dma_wait3A, %dma_wait3A_16] : memref<125x80xi32, #tpu.memory_space<vmem>> -> memref<1x80xi32, #tpu.memory_space<vmem>>
    %dma_wait3A_18 = tpu.memref_squeeze %dma_wait3A_17 : memref<1x80xi32, #tpu.memory_space<vmem>> -> memref<80xi32, #tpu.memory_space<vmem>>
    %dma_wait3A_19 = arith.constant 0 : i32
    %dma_wait3A_20 = arith.constant 0 : i32
    %dma_wait3A_21 = tpu.memref_slice %arg8[%dma_wait3A_19, %dma_wait3A_20] : memref<10000x128xf32, #tpu.memory_space<vmem_shared>> -> memref<10000x128xf32, #tpu.memory_space<vmem_shared>>
    tpu.wait_indirect_dma semaphore(%arg9 : memref<!tpu.dma_semaphore, #tpu.memory_space<semaphore_mem>>) src(%dma_wait3A_21 : memref<10000x128xf32, #tpu.memory_space<vmem_shared>>) dst(%arg6 : memref<80x128xf32, #tpu.memory_space<vmem>>)
    %add3A_22 = arith.constant 9920 : i32
    %add3A_23 = arith.addi %mul3A_4, %add3A_22 : i32
    "tpu.region"() ({
      %run_scoped3A = tpu.sem_alloc : memref<!tpu.dma_semaphore, #tpu.memory_space<semaphore_mem>>
      %dma_start3A_24 = arith.constant 0 : i32
      %dma_start3A_25 = tpu.memref_slice %arg4[%add3A_23, %dma_start3A_24] : memref<320000x128xf32, #tpu.memory_space<hbm>> -> memref<80x128xf32, #tpu.memory_space<hbm>>
      %dma_start3A_26 = arith.constant 0 : i32
      %dma_start3A_27 = tpu.memref_slice %arg4[%add3A_23, %dma_start3A_26] : memref<320000x128xf32, #tpu.memory_space<hbm>> -> memref<80x128xf32, #tpu.memory_space<hbm>>
      tpu.enqueue_dma source(%arg6 : memref<80x128xf32, #tpu.memory_space<vmem>>) target(%dma_start3A_27 : memref<80x128xf32, #tpu.memory_space<hbm>>) target_semaphore(%run_scoped3A : memref<!tpu.dma_semaphore, #tpu.memory_space<semaphore_mem>>)
      %dma_wait3A_28 = arith.constant 0 : i32
      %dma_wait3A_29 = tpu.memref_slice %arg4[%add3A_23, %dma_wait3A_28] : memref<320000x128xf32, #tpu.memory_space<hbm>> -> memref<80x128xf32, #tpu.memory_space<hbm>>
      %dma_wait3A_30 = arith.constant 0 : i32
      %dma_wait3A_31 = tpu.memref_slice %arg4[%add3A_23, %dma_wait3A_30] : memref<320000x128xf32, #tpu.memory_space<hbm>> -> memref<80x128xf32, #tpu.memory_space<hbm>>
      tpu.wait_dma2 semaphore(%run_scoped3A : memref<!tpu.dma_semaphore, #tpu.memory_space<semaphore_mem>>) src(%arg6 : memref<80x128xf32, #tpu.memory_space<vmem>>) dst(%dma_wait3A_31 : memref<80x128xf32, #tpu.memory_space<hbm>>)
      tpu.yield
    }) : () -> ()
    return
  }
}

module attributes {stable_mosaic.version = 14 : i64} {
  func.func @_edge_body(%arg0: i32, %arg1: memref<12800x128xbf16, #tpu.memory_space<vmem>>, %arg2: memref<12800x128xf32, #tpu.memory_space<vmem>>, %arg3: memref<400x128xf32, #tpu.memory_space<vmem>>, %arg4: memref<400x128xf32, #tpu.memory_space<vmem>>, %arg5: memref<128x128xbf16, #tpu.memory_space<vmem>>, %arg6: memref<1x128xf32, #tpu.memory_space<vmem>>, %arg7: memref<128x128xbf16, #tpu.memory_space<vmem>>, %arg8: memref<128x128xbf16, #tpu.memory_space<vmem>>, %arg9: memref<128x128xbf16, #tpu.memory_space<vmem>>, %arg10: memref<1x128xf32, #tpu.memory_space<vmem>>, %arg11: memref<400x128xf32, #tpu.memory_space<vmem>>) attributes {dimension_semantics = [#tpu.dimension_semantics<arbitrary>], iteration_bounds = array<i64: 25>, scalar_prefetch = 0 : i64, scratch_operands = 0 : i64, tpu.core_type = #tpu.core_type<tc>, window_params = [{transform_indices = @transform_0, window_bounds = array<i64: 12800, 128>}, {transform_indices = @transform_1, window_bounds = array<i64: 12800, 128>}, {transform_indices = @transform_2, window_bounds = array<i64: 400, 128>}, {transform_indices = @transform_3, window_bounds = array<i64: 400, 128>}, {pipeline_mode = #tpu.pipeline_mode<synchronous>, transform_indices = @transform_4, window_bounds = array<i64: 128, 128>}, {pipeline_mode = #tpu.pipeline_mode<synchronous>, transform_indices = @transform_5, window_bounds = array<i64: 1, 128>}, {pipeline_mode = #tpu.pipeline_mode<synchronous>, transform_indices = @transform_6, window_bounds = array<i64: 128, 128>}, {pipeline_mode = #tpu.pipeline_mode<synchronous>, transform_indices = @transform_7, window_bounds = array<i64: 128, 128>}, {pipeline_mode = #tpu.pipeline_mode<synchronous>, transform_indices = @transform_8, window_bounds = array<i64: 128, 128>}, {pipeline_mode = #tpu.pipeline_mode<synchronous>, transform_indices = @transform_9, window_bounds = array<i64: 1, 128>}, {transform_indices = @transform_10, window_bounds = array<i64: 400, 128>}]} {
    %get3A = arith.constant 0 : index
    %get3A_0 = arith.constant 0 : index
    %get3A_1 = vector.load %arg1[%get3A, %get3A_0] : memref<12800x128xbf16, #tpu.memory_space<vmem>>, vector<12800x128xbf16>
    %get3A_2 = arith.constant 0 : index
    %get3A_3 = arith.constant 0 : index
    %get3A_4 = vector.load %arg2[%get3A_2, %get3A_3] : memref<12800x128xf32, #tpu.memory_space<vmem>>, vector<12800x128xf32>
    %roll3A = arith.constant 12799 : i32
    %roll3A_5 = tpu.dynamic_rotate %get3A_1 by %roll3A dim 0 : vector<12800x128xbf16>, i32 -> vector<12800x128xbf16>
    %roll3A_6 = arith.constant 1 : i32
    %roll3A_7 = tpu.dynamic_rotate %get3A_1 by %roll3A_6 dim 0 : vector<12800x128xbf16>, i32 -> vector<12800x128xbf16>
    %iota3A = tpu.iota {dimensions = array<i32: 0>} : vector<12800x128xi32>
    %jit3A = arith.constant 2 : i32
    %eq3A = arith.constant 0 : i32
    %eq3A_8 = arith.cmpi eq, %jit3A, %eq3A : i32
    %jit3A_9 = arith.constant 1 : i32
    %select_n3A = arith.select %eq3A_8, %jit3A_9, %jit3A : i32
    %rem3A = vector.broadcast %select_n3A : i32 to vector<12800x128xi32>
    %rem3A_10 = arith.remsi %iota3A, %rem3A : vector<12800x128xi32>
    %ne3A = arith.constant 0 : i32
    %ne3A_11 = vector.broadcast %ne3A : i32 to vector<12800x128xi32>
    %ne3A_12 = arith.cmpi ne, %rem3A_10, %ne3A_11 : vector<12800x128xi32>
    %lt3A = arith.constant 0 : i32
    %lt3A_13 = vector.broadcast %lt3A : i32 to vector<12800x128xi32>
    %lt3A_14 = arith.cmpi slt, %rem3A_10, %lt3A_13 : vector<12800x128xi32>
    %lt3A_15 = arith.constant 0 : i32
    %lt3A_16 = arith.cmpi slt, %select_n3A, %lt3A_15 : i32
    %ne3A_17 = vector.broadcast %lt3A_16 : i1 to vector<12800x128xi1>
    %ne3A_18 = vector.broadcast %ne3A_17 : vector<12800x128xi1> to vector<12800x128xi1>
    %ne3A_19 = arith.xori %lt3A_14, %ne3A_18 : vector<12800x128xi1>
    %and3A = arith.andi %ne3A_19, %ne3A_12 : vector<12800x128xi1>
    %add3A = vector.broadcast %select_n3A : i32 to vector<12800x128xi32>
    %add3A_20 = arith.addi %rem3A_10, %add3A : vector<12800x128xi32>
    %select_n3A_21 = arith.select %and3A, %add3A_20, %rem3A_10 : vector<12800x128xi1>, vector<12800x128xi32>
    %eq3A_22 = arith.constant 0 : i32
    %eq3A_23 = vector.broadcast %eq3A_22 : i32 to vector<12800x128xi32>
    %eq3A_24 = arith.cmpi eq, %select_n3A_21, %eq3A_23 : vector<12800x128xi32>
    %select_n3A_25 = arith.select %eq3A_24, %roll3A_5, %roll3A_7 : vector<12800x128xi1>, vector<12800x128xbf16>
    %convert_element_type3A = arith.truncf %get3A_4 : vector<12800x128xf32> to vector<12800x128xbf16>
    %sub3A = arith.subf %convert_element_type3A, %select_n3A_25 : vector<12800x128xbf16>
    %get3A_26 = arith.constant 0 : index
    %get3A_27 = arith.constant 0 : index
    %get3A_28 = vector.load %arg5[%get3A_26, %get3A_27] : memref<128x128xbf16, #tpu.memory_space<vmem>>, vector<128x128xbf16>
    %dot_general3A = arith.constant dense<0.000000e+00> : vector<12800x128xf32>
    %dot_general3A_29 = tpu.matmul %sub3A, %get3A_28, %dot_general3A {dimension_numbers = #tpu.dot_dimension_numbers<[1], [0], [0], [1], [0, 0, 1, 1], [], []>, transpose_lhs_hint = false} : vector<12800x128xbf16>, vector<128x128xbf16>, vector<12800x128xf32> -> vector<12800x128xf32>
    %get3A_30 = arith.constant 0 : index
    %get3A_31 = arith.constant 0 : index
    %get3A_32 = vector.load %arg6[%get3A_30, %get3A_31] : memref<1x128xf32, #tpu.memory_space<vmem>>, vector<1x128xf32>
    %add3A_33 = vector.broadcast %get3A_32 : vector<1x128xf32> to vector<12800x128xf32>
    %add3A_34 = arith.addf %dot_general3A_29, %add3A_33 : vector<12800x128xf32>
    %convert_element_type3A_35 = arith.extf %get3A_1 : vector<12800x128xbf16> to vector<12800x128xf32>
    %add3A_36 = arith.addf %convert_element_type3A_35, %add3A_34 : vector<12800x128xf32>
    %max3A = arith.constant 0.000000e+00 : f32
    %max3A_37 = vector.broadcast %max3A : f32 to vector<12800x128xf32>
    %max3A_38 = arith.maximumf %add3A_36, %max3A_37 : vector<12800x128xf32>
    %reshape3A = vector.shape_cast %max3A_38 : vector<12800x128xf32> to vector<400x32x128xf32>
    %reduce_sum3A = arith.constant dense<0.000000e+00> : vector<400x128xf32>
    %reduce_sum3A_39 = vector.multi_reduction <add>, %reshape3A, %reduce_sum3A [1] : vector<400x32x128xf32> to vector<400x128xf32>
    %convert_element_type3A_40 = arith.truncf %reduce_sum3A_39 : vector<400x128xf32> to vector<400x128xbf16>
    %get3A_41 = arith.constant 0 : index
    %get3A_42 = arith.constant 0 : index
    %get3A_43 = vector.load %arg7[%get3A_41, %get3A_42] : memref<128x128xbf16, #tpu.memory_space<vmem>>, vector<128x128xbf16>
    %dot_general3A_44 = arith.constant dense<0.000000e+00> : vector<400x128xf32>
    %dot_general3A_45 = tpu.matmul %convert_element_type3A_40, %get3A_43, %dot_general3A_44 {dimension_numbers = #tpu.dot_dimension_numbers<[1], [0], [0], [1], [0, 0, 1, 1], [], []>, transpose_lhs_hint = false} : vector<400x128xbf16>, vector<128x128xbf16>, vector<400x128xf32> -> vector<400x128xf32>
    %get3A_46 = arith.constant 0 : index
    %get3A_47 = arith.constant 0 : index
    %get3A_48 = vector.load %arg3[%get3A_46, %get3A_47] : memref<400x128xf32, #tpu.memory_space<vmem>>, vector<400x128xf32>
    %convert_element_type3A_49 = arith.truncf %get3A_48 : vector<400x128xf32> to vector<400x128xbf16>
    %get3A_50 = arith.constant 0 : index
    %get3A_51 = arith.constant 0 : index
    %get3A_52 = vector.load %arg8[%get3A_50, %get3A_51] : memref<128x128xbf16, #tpu.memory_space<vmem>>, vector<128x128xbf16>
    %dot_general3A_53 = arith.constant dense<0.000000e+00> : vector<400x128xf32>
    %dot_general3A_54 = tpu.matmul %convert_element_type3A_49, %get3A_52, %dot_general3A_53 {dimension_numbers = #tpu.dot_dimension_numbers<[1], [0], [0], [1], [0, 0, 1, 1], [], []>, transpose_lhs_hint = false} : vector<400x128xbf16>, vector<128x128xbf16>, vector<400x128xf32> -> vector<400x128xf32>
    %add3A_55 = arith.addf %dot_general3A_45, %dot_general3A_54 : vector<400x128xf32>
    %get3A_56 = arith.constant 0 : index
    %get3A_57 = arith.constant 0 : index
    %get3A_58 = vector.load %arg4[%get3A_56, %get3A_57] : memref<400x128xf32, #tpu.memory_space<vmem>>, vector<400x128xf32>
    %convert_element_type3A_59 = arith.truncf %get3A_58 : vector<400x128xf32> to vector<400x128xbf16>
    %get3A_60 = arith.constant 0 : index
    %get3A_61 = arith.constant 0 : index
    %get3A_62 = vector.load %arg9[%get3A_60, %get3A_61] : memref<128x128xbf16, #tpu.memory_space<vmem>>, vector<128x128xbf16>
    %dot_general3A_63 = arith.constant dense<0.000000e+00> : vector<400x128xf32>
    %dot_general3A_64 = tpu.matmul %convert_element_type3A_59, %get3A_62, %dot_general3A_63 {dimension_numbers = #tpu.dot_dimension_numbers<[1], [0], [0], [1], [0, 0, 1, 1], [], []>, transpose_lhs_hint = false} : vector<400x128xbf16>, vector<128x128xbf16>, vector<400x128xf32> -> vector<400x128xf32>
    %add3A_65 = arith.addf %add3A_55, %dot_general3A_64 : vector<400x128xf32>
    %get3A_66 = arith.constant 0 : index
    %get3A_67 = arith.constant 0 : index
    %get3A_68 = vector.load %arg10[%get3A_66, %get3A_67] : memref<1x128xf32, #tpu.memory_space<vmem>>, vector<1x128xf32>
    %add3A_69 = vector.broadcast %get3A_68 : vector<1x128xf32> to vector<400x128xf32>
    %add3A_70 = arith.addf %add3A_65, %add3A_69 : vector<400x128xf32>
    %swap3A = arith.constant 0 : index
    %swap3A_71 = arith.constant 0 : index
    %swap3A_72 = vector.load %arg11[%swap3A, %swap3A_71] : memref<400x128xf32, #tpu.memory_space<vmem>>, vector<400x128xf32>
    tpu.vector_store %arg11[%swap3A, %swap3A_71], %add3A_70 {strides = array<i32>} : memref<400x128xf32, #tpu.memory_space<vmem>>, vector<400x128xf32>,
    return
  }
  func.func @transform_0(%arg0: i32) -> (i32, i32) {
    %c0_i32 = arith.constant 0 : i32
    %c0_i32_0 = arith.constant 0 : i32
    return %arg0, %c0_i32 : i32, i32
  }
  func.func @transform_1(%arg0: i32) -> (i32, i32) {
    %c0_i32 = arith.constant 0 : i32
    %c0_i32_0 = arith.constant 0 : i32
    return %arg0, %c0_i32 : i32, i32
  }
  func.func @transform_2(%arg0: i32) -> (i32, i32) {
    %c0_i32 = arith.constant 0 : i32
    %c0_i32_0 = arith.constant 0 : i32
    return %arg0, %c0_i32 : i32, i32
  }
  func.func @transform_3(%arg0: i32) -> (i32, i32) {
    %c0_i32 = arith.constant 0 : i32
    %c0_i32_0 = arith.constant 0 : i32
    return %arg0, %c0_i32 : i32, i32
  }
  func.func @transform_4(%arg0: i32) -> (i32, i32) {
    %c0_i32 = arith.constant 0 : i32
    %c0_i32_0 = arith.constant 0 : i32
    %c0_i32_1 = arith.constant 0 : i32
    return %c0_i32, %c0_i32_0 : i32, i32
  }
  func.func @transform_5(%arg0: i32) -> (i32, i32) {
    %c0_i32 = arith.constant 0 : i32
    %c0_i32_0 = arith.constant 0 : i32
    %c0_i32_1 = arith.constant 0 : i32
    return %c0_i32, %c0_i32_0 : i32, i32
  }
  func.func @transform_6(%arg0: i32) -> (i32, i32) {
    %c0_i32 = arith.constant 0 : i32
    %c0_i32_0 = arith.constant 0 : i32
    %c0_i32_1 = arith.constant 0 : i32
    return %c0_i32, %c0_i32_0 : i32, i32
  }
  func.func @transform_7(%arg0: i32) -> (i32, i32) {
    %c0_i32 = arith.constant 0 : i32
    %c0_i32_0 = arith.constant 0 : i32
    %c0_i32_1 = arith.constant 0 : i32
    return %c0_i32, %c0_i32_0 : i32, i32
  }
  func.func @transform_8(%arg0: i32) -> (i32, i32) {
    %c0_i32 = arith.constant 0 : i32
    %c0_i32_0 = arith.constant 0 : i32
    %c0_i32_1 = arith.constant 0 : i32
    return %c0_i32, %c0_i32_0 : i32, i32
  }
  func.func @transform_9(%arg0: i32) -> (i32, i32) {
    %c0_i32 = arith.constant 0 : i32
    %c0_i32_0 = arith.constant 0 : i32
    %c0_i32_1 = arith.constant 0 : i32
    return %c0_i32, %c0_i32_0 : i32, i32
  }
  func.func @transform_10(%arg0: i32) -> (i32, i32) {
    %c0_i32 = arith.constant 0 : i32
    %c0_i32_0 = arith.constant 0 : i32
    return %arg0, %c0_i32 : i32, i32
  }
}

module attributes {stable_mosaic.version = 14 : i64} {
  func.func @_attn_body(%arg0: i32, %arg1: memref<400x128xf32, #tpu.memory_space<vmem>>, %arg2: memref<12800x128xf32, #tpu.memory_space<vmem>>, %arg3: memref<128x128xbf16, #tpu.memory_space<vmem>>, %arg4: memref<1x128xf32, #tpu.memory_space<vmem>>, %arg5: memref<128x128xbf16, #tpu.memory_space<vmem>>, %arg6: memref<1x128xf32, #tpu.memory_space<vmem>>, %arg7: memref<128x128xbf16, #tpu.memory_space<vmem>>, %arg8: memref<1x128xf32, #tpu.memory_space<vmem>>, %arg9: memref<128x128xbf16, #tpu.memory_space<vmem>>, %arg10: memref<1x128xf32, #tpu.memory_space<vmem>>, %arg11: memref<128x4xf32, #tpu.memory_space<vmem>>, %arg12: memref<4x128xf32, #tpu.memory_space<vmem>>, %arg13: memref<400x128xf32, #tpu.memory_space<vmem>>, %arg14: memref<12800x128xbf16, #tpu.memory_space<vmem>>) attributes {dimension_semantics = [#tpu.dimension_semantics<arbitrary>], iteration_bounds = array<i64: 25>, scalar_prefetch = 0 : i64, scratch_operands = 0 : i64, tpu.core_type = #tpu.core_type<tc>, window_params = [{transform_indices = @transform_0, window_bounds = array<i64: 400, 128>}, {transform_indices = @transform_1, window_bounds = array<i64: 12800, 128>}, {pipeline_mode = #tpu.pipeline_mode<synchronous>, transform_indices = @transform_2, window_bounds = array<i64: 128, 128>}, {pipeline_mode = #tpu.pipeline_mode<synchronous>, transform_indices = @transform_3, window_bounds = array<i64: 1, 128>}, {pipeline_mode = #tpu.pipeline_mode<synchronous>, transform_indices = @transform_4, window_bounds = array<i64: 128, 128>}, {pipeline_mode = #tpu.pipeline_mode<synchronous>, transform_indices = @transform_5, window_bounds = array<i64: 1, 128>}, {pipeline_mode = #tpu.pipeline_mode<synchronous>, transform_indices = @transform_6, window_bounds = array<i64: 128, 128>}, {pipeline_mode = #tpu.pipeline_mode<synchronous>, transform_indices = @transform_7, window_bounds = array<i64: 1, 128>}, {pipeline_mode = #tpu.pipeline_mode<synchronous>, transform_indices = @transform_8, window_bounds = array<i64: 128, 128>}, {pipeline_mode = #tpu.pipeline_mode<synchronous>, transform_indices = @transform_9, window_bounds = array<i64: 1, 128>}, {pipeline_mode = #tpu.pipeline_mode<synchronous>, transform_indices = @transform_10, window_bounds = array<i64: 128, 4>}, {pipeline_mode = #tpu.pipeline_mode<synchronous>, transform_indices = @transform_11, window_bounds = array<i64: 4, 128>}, {transform_indices = @transform_12, window_bounds = array<i64: 400, 128>}, {transform_indices = @transform_13, window_bounds = array<i64: 12800, 128>}]} {
    %get3A = arith.constant 0 : index
    %get3A_0 = arith.constant 0 : index
    %get3A_1 = vector.load %arg1[%get3A, %get3A_0] : memref<400x128xf32, #tpu.memory_space<vmem>>, vector<400x128xf32>
    %get3A_2 = arith.constant 0 : index
    %get3A_3 = arith.constant 0 : index
    %get3A_4 = vector.load %arg2[%get3A_2, %get3A_3] : memref<12800x128xf32, #tpu.memory_space<vmem>>, vector<12800x128xf32>
    %convert_element_type3A = arith.truncf %get3A_4 : vector<12800x128xf32> to vector<12800x128xbf16>
    %swap3A = arith.constant 0 : index
    %swap3A_5 = arith.constant 0 : index
    %swap3A_6 = vector.load %arg14[%swap3A, %swap3A_5] : memref<12800x128xbf16, #tpu.memory_space<vmem>>, vector<12800x128xbf16>
    tpu.vector_store %arg14[%swap3A, %swap3A_5], %convert_element_type3A {strides = array<i32>} : memref<12800x128xbf16, #tpu.memory_space<vmem>>, vector<12800x128xbf16>,
    %convert_element_type3A_7 = arith.truncf %get3A_1 : vector<400x128xf32> to vector<400x128xbf16>
    %get3A_8 = arith.constant 0 : index
    %get3A_9 = arith.constant 0 : index
    %get3A_10 = vector.load %arg3[%get3A_8, %get3A_9] : memref<128x128xbf16, #tpu.memory_space<vmem>>, vector<128x128xbf16>
    %dot_general3A = arith.constant dense<0.000000e+00> : vector<400x128xf32>
    %dot_general3A_11 = tpu.matmul %convert_element_type3A_7, %get3A_10, %dot_general3A {dimension_numbers = #tpu.dot_dimension_numbers<[1], [0], [0], [1], [0, 0, 1, 1], [], []>, transpose_lhs_hint = false} : vector<400x128xbf16>, vector<128x128xbf16>, vector<400x128xf32> -> vector<400x128xf32>
    %get3A_12 = arith.constant 0 : index
    %get3A_13 = arith.constant 0 : index
    %get3A_14 = vector.load %arg4[%get3A_12, %get3A_13] : memref<1x128xf32, #tpu.memory_space<vmem>>, vector<1x128xf32>
    %add3A = vector.broadcast %get3A_14 : vector<1x128xf32> to vector<400x128xf32>
    %add3A_15 = arith.addf %dot_general3A_11, %add3A : vector<400x128xf32>
    %get3A_16 = arith.constant 0 : index
    %get3A_17 = arith.constant 0 : index
    %get3A_18 = vector.load %arg5[%get3A_16, %get3A_17] : memref<128x128xbf16, #tpu.memory_space<vmem>>, vector<128x128xbf16>
    %dot_general3A_19 = arith.constant dense<0.000000e+00> : vector<12800x128xf32>
    %dot_general3A_20 = tpu.matmul %convert_element_type3A, %get3A_18, %dot_general3A_19 {dimension_numbers = #tpu.dot_dimension_numbers<[1], [0], [0], [1], [0, 0, 1, 1], [], []>, transpose_lhs_hint = false} : vector<12800x128xbf16>, vector<128x128xbf16>, vector<12800x128xf32> -> vector<12800x128xf32>
    %get3A_21 = arith.constant 0 : index
    %get3A_22 = arith.constant 0 : index
    %get3A_23 = vector.load %arg6[%get3A_21, %get3A_22] : memref<1x128xf32, #tpu.memory_space<vmem>>, vector<1x128xf32>
    %add3A_24 = vector.broadcast %get3A_23 : vector<1x128xf32> to vector<12800x128xf32>
    %add3A_25 = arith.addf %dot_general3A_20, %add3A_24 : vector<12800x128xf32>
    %get3A_26 = arith.constant 0 : index
    %get3A_27 = arith.constant 0 : index
    %get3A_28 = vector.load %arg7[%get3A_26, %get3A_27] : memref<128x128xbf16, #tpu.memory_space<vmem>>, vector<128x128xbf16>
    %dot_general3A_29 = arith.constant dense<0.000000e+00> : vector<12800x128xf32>
    %dot_general3A_30 = tpu.matmul %convert_element_type3A, %get3A_28, %dot_general3A_29 {dimension_numbers = #tpu.dot_dimension_numbers<[1], [0], [0], [1], [0, 0, 1, 1], [], []>, transpose_lhs_hint = false} : vector<12800x128xbf16>, vector<128x128xbf16>, vector<12800x128xf32> -> vector<12800x128xf32>
    %get3A_31 = arith.constant 0 : index
    %get3A_32 = arith.constant 0 : index
    %get3A_33 = vector.load %arg8[%get3A_31, %get3A_32] : memref<1x128xf32, #tpu.memory_space<vmem>>, vector<1x128xf32>
    %add3A_34 = vector.broadcast %get3A_33 : vector<1x128xf32> to vector<12800x128xf32>
    %add3A_35 = arith.addf %dot_general3A_30, %add3A_34 : vector<12800x128xf32>
    %reshape3A = vector.shape_cast %add3A_25 : vector<12800x128xf32> to vector<400x32x128xf32>
    %broadcast_in_dim3A = vector.shape_cast %add3A_15 : vector<400x128xf32> to vector<400x1x128xf32>
    %mul3A = vector.broadcast %broadcast_in_dim3A : vector<400x1x128xf32> to vector<400x32x128xf32>
    %mul3A_36 = arith.mulf %reshape3A, %mul3A : vector<400x32x128xf32>
    %reshape3A_37 = vector.shape_cast %mul3A_36 : vector<400x32x128xf32> to vector<12800x128xf32>
    %get3A_38 = arith.constant 0 : index
    %get3A_39 = arith.constant 0 : index
    %get3A_40 = vector.load %arg11[%get3A_38, %get3A_39] : memref<128x4xf32, #tpu.memory_space<vmem>>, vector<128x4xf32>
    %dot_general3A_41 = arith.constant dense<0.000000e+00> : vector<12800x4xf32>
    %dot_general3A_42 = tpu.matmul %reshape3A_37, %get3A_40, %dot_general3A_41 {dimension_numbers = #tpu.dot_dimension_numbers<[1], [0], [0], [1], [0, 0, 1, 1], [], []>, transpose_lhs_hint = false} : vector<12800x128xf32>, vector<128x4xf32>, vector<12800x4xf32> -> vector<12800x4xf32>
    %mul3A_43 = arith.constant 0.176776692 : f32
    %mul3A_44 = vector.broadcast %mul3A_43 : f32 to vector<12800x4xf32>
    %mul3A_45 = arith.mulf %dot_general3A_42, %mul3A_44 : vector<12800x4xf32>
    %exp3A = math.exp %mul3A_45 : vector<12800x4xf32>
    %get3A_46 = arith.constant 0 : index
    %get3A_47 = arith.constant 0 : index
    %get3A_48 = vector.load %arg12[%get3A_46, %get3A_47] : memref<4x128xf32, #tpu.memory_space<vmem>>, vector<4x128xf32>
    %dot_general3A_49 = arith.constant dense<0.000000e+00> : vector<12800x128xf32>
    %dot_general3A_50 = tpu.matmul %exp3A, %get3A_48, %dot_general3A_49 {dimension_numbers = #tpu.dot_dimension_numbers<[1], [0], [0], [1], [0, 0, 1, 1], [], []>, transpose_lhs_hint = false} : vector<12800x4xf32>, vector<4x128xf32>, vector<12800x128xf32> -> vector<12800x128xf32>
    %reshape3A_51 = vector.shape_cast %dot_general3A_50 : vector<12800x128xf32> to vector<400x32x128xf32>
    %reshape3A_52 = vector.shape_cast %add3A_35 : vector<12800x128xf32> to vector<400x32x128xf32>
    %mul3A_53 = arith.mulf %reshape3A_51, %reshape3A_52 : vector<400x32x128xf32>
    %reduce_sum3A = arith.constant dense<0.000000e+00> : vector<400x128xf32>
    %reduce_sum3A_54 = vector.multi_reduction <add>, %mul3A_53, %reduce_sum3A [1] : vector<400x32x128xf32> to vector<400x128xf32>
    %reduce_sum3A_55 = arith.constant dense<0.000000e+00> : vector<400x128xf32>
    %reduce_sum3A_56 = vector.multi_reduction <add>, %reshape3A_51, %reduce_sum3A_55 [1] : vector<400x32x128xf32> to vector<400x128xf32>
    %div3A = arith.divf %reduce_sum3A_54, %reduce_sum3A_56 : vector<400x128xf32>
    %convert_element_type3A_57 = arith.truncf %div3A : vector<400x128xf32> to vector<400x128xbf16>
    %get3A_58 = arith.constant 0 : index
    %get3A_59 = arith.constant 0 : index
    %get3A_60 = vector.load %arg9[%get3A_58, %get3A_59] : memref<128x128xbf16, #tpu.memory_space<vmem>>, vector<128x128xbf16>
    %dot_general3A_61 = arith.constant dense<0.000000e+00> : vector<400x128xf32>
    %dot_general3A_62 = tpu.matmul %convert_element_type3A_57, %get3A_60, %dot_general3A_61 {dimension_numbers = #tpu.dot_dimension_numbers<[1], [0], [0], [1], [0, 0, 1, 1], [], []>, transpose_lhs_hint = false} : vector<400x128xbf16>, vector<128x128xbf16>, vector<400x128xf32> -> vector<400x128xf32>
    %get3A_63 = arith.constant 0 : index
    %get3A_64 = arith.constant 0 : index
    %get3A_65 = vector.load %arg10[%get3A_63, %get3A_64] : memref<1x128xf32, #tpu.memory_space<vmem>>, vector<1x128xf32>
    %add3A_66 = vector.broadcast %get3A_65 : vector<1x128xf32> to vector<400x128xf32>
    %add3A_67 = arith.addf %dot_general3A_62, %add3A_66 : vector<400x128xf32>
    %add3A_68 = arith.addf %add3A_67, %get3A_1 : vector<400x128xf32>
    %swap3A_69 = arith.constant 0 : index
    %swap3A_70 = arith.constant 0 : index
    %swap3A_71 = vector.load %arg13[%swap3A_69, %swap3A_70] : memref<400x128xf32, #tpu.memory_space<vmem>>, vector<400x128xf32>
    tpu.vector_store %arg13[%swap3A_69, %swap3A_70], %add3A_68 {strides = array<i32>} : memref<400x128xf32, #tpu.memory_space<vmem>>, vector<400x128xf32>,
    return
  }
  func.func @transform_0(%arg0: i32) -> (i32, i32) {
    %c0_i32 = arith.constant 0 : i32
    %c0_i32_0 = arith.constant 0 : i32
    return %arg0, %c0_i32 : i32, i32
  }
  func.func @transform_1(%arg0: i32) -> (i32, i32) {
    %c0_i32 = arith.constant 0 : i32
    %c0_i32_0 = arith.constant 0 : i32
    return %arg0, %c0_i32 : i32, i32
  }
  func.func @transform_2(%arg0: i32) -> (i32, i32) {
    %c0_i32 = arith.constant 0 : i32
    %c0_i32_0 = arith.constant 0 : i32
    %c0_i32_1 = arith.constant 0 : i32
    return %c0_i32, %c0_i32_0 : i32, i32
  }
  func.func @transform_3(%arg0: i32) -> (i32, i32) {
    %c0_i32 = arith.constant 0 : i32
    %c0_i32_0 = arith.constant 0 : i32
    %c0_i32_1 = arith.constant 0 : i32
    return %c0_i32, %c0_i32_0 : i32, i32
  }
  func.func @transform_4(%arg0: i32) -> (i32, i32) {
    %c0_i32 = arith.constant 0 : i32
    %c0_i32_0 = arith.constant 0 : i32
    %c0_i32_1 = arith.constant 0 : i32
    return %c0_i32, %c0_i32_0 : i32, i32
  }
  func.func @transform_5(%arg0: i32) -> (i32, i32) {
    %c0_i32 = arith.constant 0 : i32
    %c0_i32_0 = arith.constant 0 : i32
    %c0_i32_1 = arith.constant 0 : i32
    return %c0_i32, %c0_i32_0 : i32, i32
  }
  func.func @transform_6(%arg0: i32) -> (i32, i32) {
    %c0_i32 = arith.constant 0 : i32
    %c0_i32_0 = arith.constant 0 : i32
    %c0_i32_1 = arith.constant 0 : i32
    return %c0_i32, %c0_i32_0 : i32, i32
  }
  func.func @transform_7(%arg0: i32) -> (i32, i32) {
    %c0_i32 = arith.constant 0 : i32
    %c0_i32_0 = arith.constant 0 : i32
    %c0_i32_1 = arith.constant 0 : i32
    return %c0_i32, %c0_i32_0 : i32, i32
  }
  func.func @transform_8(%arg0: i32) -> (i32, i32) {
    %c0_i32 = arith.constant 0 : i32
    %c0_i32_0 = arith.constant 0 : i32
    %c0_i32_1 = arith.constant 0 : i32
    return %c0_i32, %c0_i32_0 : i32, i32
  }
  func.func @transform_9(%arg0: i32) -> (i32, i32) {
    %c0_i32 = arith.constant 0 : i32
    %c0_i32_0 = arith.constant 0 : i32
    %c0_i32_1 = arith.constant 0 : i32
    return %c0_i32, %c0_i32_0 : i32, i32
  }
  func.func @transform_10(%arg0: i32) -> (i32, i32) {
    %c0_i32 = arith.constant 0 : i32
    %c0_i32_0 = arith.constant 0 : i32
    %c0_i32_1 = arith.constant 0 : i32
    return %c0_i32, %c0_i32_0 : i32, i32
  }
  func.func @transform_11(%arg0: i32) -> (i32, i32) {
    %c0_i32 = arith.constant 0 : i32
    %c0_i32_0 = arith.constant 0 : i32
    %c0_i32_1 = arith.constant 0 : i32
    return %c0_i32, %c0_i32_0 : i32, i32
  }
  func.func @transform_12(%arg0: i32) -> (i32, i32) {
    %c0_i32 = arith.constant 0 : i32
    %c0_i32_0 = arith.constant 0 : i32
    return %arg0, %c0_i32 : i32, i32
  }
  func.func @transform_13(%arg0: i32) -> (i32, i32) {
    %c0_i32 = arith.constant 0 : i32
    %c0_i32_0 = arith.constant 0 : i32
    return %arg0, %c0_i32 : i32, i32
  }
}

</mosaic_0001>

<sc_bundles>
// kernel: kernel.5.cloned.1.call-start
scs
__scs_entry_jumppad:
0x0: {  	(pc) =	sbr.rel $0x88, $3  }
0x1: {  	(tag) =	ssettag $0x0;
	lr =	simm.s32 $0x1  }
0x2: {  	[smem:$0x3F92] =	sst lr;
	_ =	strace $0xD0000000  }
0x3: {  	_ = 	snop  }
0x4: {  	_ = 	snop  }
0x5: {  	_ = 	snop  }
0x6: {  	_ = 	snop  }
0x7: {  	_ = 	snop  }
__scs_overlays_trampoline_lowered:
0x8: {  	[smem:$0x3FA1] =	sst s0  }
0x9: {  	[smem:$0x3FA2] =	sst s1  }
0xa: {  	[smem:$0x3FA3] =	sst s2  }
0xb: {  	[smem:$0x3FA4] =	sst s3  }
0xc: {  	[smem:$0x3FA5] =	sst s4  }
0xd: {  	[smem:$0x3FA6] =	sst s5  }
0xe: {  	[smem:$0x3FA7] =	sst s6  }
0xf: {  	[smem:$0x3FA8] =	sst s7  }
0x10: {  	[smem:$0x3FA9] =	sst s8  }
0x11: {  	[smem:$0x3FAA] =	sst s9;
	s0 =	simm.s32 @!p0 $0x0  }
0x12: {  	s1 =	sld [smem:$0x3F90];
	s0 =	simm.s32 @p0 $0x1  }
0x13: {  	[smem:$0x3FAB] =	sst s0;
	s0 =	simm.s32 @!p1 $0x0  }
0x14: {  	s2 =	sld [smem:$0x3F8F];
	s0 =	simm.s32 @p1 $0x1  }
0x15: {  	[smem:$0x3FAC] =	sst s0;
	s0 =	simm.s32 @!p2 $0x0  }
0x16: {  	s3 =	sld [smem:$0x3FDB];
	s0 =	simm.s32 @p2 $0x1  }
0x17: {  	s4 =	simm.s32 $0x1BF5;
	[smem:$0x3FAE] =	sst s0  }
0x18: {  	s0 =	sld [smem:$0x3F91];
	_ =	swait.ge [sflag:s4], $0x0  }
0x19: {  	s7 =	sld [smem:$0x3F92]  }
0x1a: {  	s8 =	sadd.s32 $0xFFFFE003, lr  }
0x1b: {  	s9 =	sadd.s32 $0xFFFFFEF7, lr;
	s5 =	simm.s32 $0xFFFFFFFF;
	p2 =	slt.u32 s8, $0xFFFFF086  }
0x1c: {  	p1 =	slt.u32 s9, $0xF7A;
	s5 =	simm.s32 @!p2 $0x0  }
0x1d: {  	s5 =	simm.s32 @p1 $0x1;
	p0 =	seq.s32 s7, s2  }
0x1e: {  	s7 =	smul.u32 @!p0 $0xF7A, s2;
	p2 =	seq.s32 @!p0 s5, $0x0  }
0x1f: {  	s9 =	smul.u32 $0xF7A, s1;
	s8 =	simm.s32 @!p0 $0x1BF5;
	p2 =	por !p2, p0  }
0x20: {  	[sflag:s8] =	ssyncset.s32 @!p0 $0xFFFFF086;
	s6 =	sadd.s32 @!p0 s3, s7;
	s7 =	simm.s32 @!p0 $0x108  }
0x21: {  	s3 =	sadd.s32 s3, s9;
	s6 =	sadd.s32 @!p0 $0x88, s6;
	s7 =	simm.s32 @p2 $0x1082  }
0x22: {  	[simem:s7], [sflag:s8] =	dma.local @!p0 [hbm:s6], $0xF7A  }
0x23: {  	s9 =	sor.u32 $0xD0000000, s2;
	s6 =	simm.s32 $0x108;
	_ =	swait.ge @!p0 [sflag:s8], $0x0  }
0x24: {  	s3 =	sadd.s32 $0x88, s3;
	s6 =	simm.s32 @!p1 $0x1082;
	[sflag:s4] =	ssyncset.s32 $0xFFFFF086  }
0x25: {  	[simem:s6], [sflag:s4] =	dma.local [hbm:s3], $0xF7A  }
0x26: {  	[smem:$0x3F92] =	sst s1;
	(tag) =	ssettag s2;
	_ =	strace s9  }
0x27: {  	s1 =	sld [smem:$0x3FA2]  }
0x28: {  	s2 =	sld [smem:$0x3FA3]  }
0x29: {  	s4 =	sld [smem:$0x3FA5]  }
0x2a: {  	p0 =	seq.s32 s5, $0x0;
	s5 =	sld [smem:$0x3FA6]  }
0x2b: {  	s6 =	sld [smem:$0x3FA7]  }
0x2c: {  	s7 =	sld [smem:$0x3FA8]  }
0x2d: {  	s3 =	simm.s32 $0x108;
	s8 =	sld [smem:$0x3FA9]  }
0x2e: {  	s3 =	simm.s32 @!p0 $0x1082;
	s9 =	sld [smem:$0x3FAA]  }
0x2f: {  	lr =	sadd.s32 s0, s3;
	s0 =	sld [smem:$0x3FA1]  }
0x30: {  	s3 =	sld [smem:$0x3FA4]  }
0x31: {  	[smem:$0x3FAD] =	sst s10  }
0x32: {  	s10 =	sld [smem:$0x3FAB];
	_ =	sdelay $0x3  }
0x33: {  	p0 =	seq.s32 s10, $0x1;
	s10 =	sld [smem:$0x3FAD];
	_ =	sdelay $0x3  }
0x34: {  	[smem:$0x3FAD] =	sst s10  }
0x35: {  	s10 =	sld [smem:$0x3FAC];
	_ =	sdelay $0x3  }
0x36: {  	p1 =	seq.s32 s10, $0x1;
	s10 =	sld [smem:$0x3FAD];
	_ =	sdelay $0x3  }
0x37: {  	[smem:$0x3FAD] =	sst s10  }
0x38: {  	s10 =	sld [smem:$0x3FAE]  }
0x39: {  	_ = 	snop;
	(pc) =	sbr.ind lr, $3  }
0x3a: {  	_ = 	snop  }
0x3b: {  	_ = 	snop  }
0x3c: {  	p2 =	seq.s32 s10, $0x1;
	s10 =	sld [smem:$0x3FAD]  }
0x3d: {  	_ =	shalt  }
0x3e: {  	_ =	shalt  }
0x3f: {  	_ =	shalt  }
0x40: {  	_ =	shalt  }
0x41: {  	_ =	shalt  }
0x42: {  	_ =	shalt  }
0x43: {  	_ =	shalt  }
0x44: {  	_ =	shalt  }
0x45: {  	_ =	shalt  }
0x46: {  	_ =	shalt  }
0x47: {  	_ =	shalt  }
0x48: {  	_ =	shalt  }
0x49: {  	_ =	shalt  }
0x4a: {  	_ =	shalt  }
0x4b: {  	_ =	shalt  }
0x4c: {  	_ =	shalt  }
0x4d: {  	_ =	shalt  }
0x4e: {  	_ =	shalt  }
0x4f: {  	_ =	shalt  }
0x50: {  	_ =	shalt  }
0x51: {  	_ =	shalt  }
0x52: {  	_ =	shalt  }
0x53: {  	_ =	shalt  }
0x54: {  	_ =	shalt  }
0x55: {  	_ =	shalt  }
0x56: {  	_ =	shalt  }
0x57: {  	_ =	shalt  }
0x58: {  	_ =	shalt  }
0x59: {  	_ =	shalt  }
0x5a: {  	_ =	shalt  }
0x5b: {  	_ =	shalt  }
0x5c: {  	_ =	shalt  }
0x5d: {  	_ =	shalt  }
0x5e: {  	_ =	shalt  }
0x5f: {  	_ =	shalt  }
0x60: {  	_ =	shalt  }
0x61: {  	_ =	shalt  }
0x62: {  	_ =	shalt  }
0x63: {  	_ =	shalt  }
0x64: {  	_ =	shalt  }
0x65: {  	_ =	shalt  }
0x66: {  	_ =	shalt  }
0x67: {  	_ =	shalt  }
0x68: {  	_ =	shalt  }
0x69: {  	_ =	shalt  }
0x6a: {  	_ =	shalt  }
0x6b: {  	_ =	shalt  }
0x6c: {  	_ =	shalt  }
0x6d: {  	_ =	shalt  }
0x6e: {  	_ =	shalt  }
0x6f: {  	_ =	shalt  }
0x70: {  	_ =	shalt  }
0x71: {  	_ =	shalt  }
0x72: {  	_ =	shalt  }
0x73: {  	_ =	shalt  }
0x74: {  	_ =	shalt  }
0x75: {  	_ =	shalt  }
0x76: {  	_ =	shalt  }
0x77: {  	_ =	shalt  }
0x78: {  	_ =	shalt  }
0x79: {  	_ =	shalt  }
0x7a: {  	_ =	shalt  }
0x7b: {  	_ =	shalt  }
0x7c: {  	_ =	shalt  }
0x7d: {  	_ =	shalt  }
0x7e: {  	_ =	shalt  }
0x7f: {  	_ =	shalt  }
0x80: {  	_ =	shalt  }
0x81: {  	_ =	shalt  }
0x82: {  	_ =	shalt  }
0x83: {  	_ =	shalt  }
0x84: {  	_ =	shalt  }
0x85: {  	_ =	shalt  }
0x86: {  	_ =	shalt  }
0x87: {  	_ =	shalt  }
.Lfunc_end0:
.L_simem_size_0:
called_computation_lowered:
.L_overlay_start_0:
0x88: {  	s2 =	sld [smem:$0x3FD9]  }
0x89: {  	s3 =	sld [smem:$0x3FFE];
	_ =	sdelay $0x1  }
0x8a: {  	s1 =	srdreg.scid  }
0x8b: {  	s0 =	sand.u32 $0x1, s1  }
0x8c: {  	s17 =	sshll.u32 s0, $0xA;
	s2 =	sadd.s32 s3, s2  }
0x8d: {  	s2 =	sadd.s32 s2, s17  }
0x8e: {  	[smem:$0x3FB9] =	sst s2  }
0x8f: {  	_ = 	snop  }
0x90: {  	s2 =	sld [smem:$0x3FD0];
	(tm) =	ssettm $0x1  }
0x91: {  	s18 =	sld [smem:$0x3FFB];
	_ =	sdelay $0x3  }
0x92: {  	_ =	strace s18  }
0x93: {  	s3 =	sld [smem:$0x3FFC];
	_ =	sdelay $0x3  }
0x94: {  	_ =	strace s3  }
0x95: {  	s3 =	sld [smem:$0x3FFD];
	_ =	sdelay $0x3  }
0x96: {  	_ =	strace s3  }
0x97: {  	_ =	strace $0x8FFFFFFF  }
0x98: {  	s19 =	sld [smem:$0x3FDB];
	_ =	sdelay $0x1  }
0x99: {  	s4 =	simm.s32 $_scs_section_size  }
0x9a: {  	s5 =	simm.s32 $_size__tile_overlayer_lowered;
	s6 =	simm.s32 $_tile_overlayer_lowered  }
0x9b: {  	s22 =	simm.s32 $0x1BFF;
	s21 =	sshll.u32 s6, $0x1;
	s3 =	sadd.s32 s4, s19  }
0x9c: {  	s7 =	simm.s32 $0x0;
	s20 =	sshll.u32 s5, $0x1;
	s5 =	sadd.s32 s21, s3  }
0x9d: {  	[timem:s7], [sflag:s22] =	dma.local [hbm:s5], s20  }
0x9e: {  	_ =	swait.ge [sflag:s22], s20  }
0x9f: {  	s4 =	ssub.s32 $0x0, s20;
	[sflag:s22] =	ssyncset.done $0x0  }
0xa0: {  	[sflag:s22] =	ssyncadd.s32 s4;
	_ =	sdelay $0x1  }
0xa1: {  	s23 =	simm.s32 $0x1B8B  }
0xa2: {  	_ =	swait.ge [sflag:s23], $0x1  }
0xa3: {  	[sflag:s23] =	ssyncset.done $0x0  }
0xa4: {  	s25 =	simm.s32 $0x1B8E;
	s24 =	sld [smem:$0x3FFE];
	[sflag:s23] =	ssyncadd.s32 $0xFFFFFFFF  }
0xa5: {  	s26 =	simm.s32 $execute0_lowered;
	[smem:$0x3FD2] =	sst s25  }
0xa6: {  	s5 =	sshll.u32 s26, $0x1;
	_ =	strace $0x80000046;
	[dreg:$0x1] =	wrdreg $0xFFFFFFFF  }
0xa7: {  	s28 =	simm.s32 $_size_execute0_lowered;
	s3 =	sadd.s32 s3, s5;
	[dreg:$0x0] =	wrdreg $0x0  }
0xa8: {  	s5 =	sshll.u32 s28, $0x1;
	[dreg:$0x2] =	wrdreg s3  }
0xa9: {  	[dreg:$0x3] =	wrdreg s5  }
0xaa: {  	[dreg:$0x4] =	wrdreg $0xC0  }
0xab: {  	_ =	task [dreg:s7], $0x5FFFF  }
0xac: {  	[dreg:$0x1] =	wrdreg $0xFFFFFFFF  }
0xad: {  	[dreg:$0x0] =	wrdreg $0x60  }
0xae: {  	[dreg:$0x2] =	wrdreg s24  }
0xaf: {  	[dreg:$0x3] =	wrdreg s2  }
0xb0: {  	[dreg:$0x4] =	wrdreg $0x90000  }
0xb1: {  	[dreg:$0x5] =	wrdreg $0x9  }
0xb2: {  	_ =	task.clear_ibuf [dreg:s7], $0x6FFFF;
	_ =	strace $0x90000046  }
0xb3: {  	s29 =	simm.s32 $0x9;
	_ =	strace $0x80000048  }
0xb4: {  	_ =	swait.ge [sflag:s29], $0x1  }
0xb5: {  	[sflag:s29] =	ssyncadd.s32 $0xFFFFFFFF  }
0xb6: {  	_ =	strace $0x90000048  }
0xb7: {  	_ =	sfence  }
0xb8: {  	s30 =	sld [smem:$0x0];
	_ =	sdelay $0x2  }
0xb9: {  	s31 =	sshll.u32 s1, $0xD;
	s1 =	sshrl.u32 s1, $0x2  }
0xba: {  	s3 =	sand.u32 $0x4000, s31;
	s1 =	sadd.s32 s1, s30  }
0xbb: {  	s0 =	sor.u32 s3, s0;
	s1 =	sshll.u32 s1, $0x11  }
0xbc: {  	s0 =	sor.u32 s1, s0  }
0xbd: {  	s0 =	sadd.s32 $0x8F2B, s0  }
0xbe: {  	[sflag:s0] =	ssyncadd.remote.s32 $0x1  }
0xbf: {  	_ =	sfence.sel $0xFFFF  }
0xc0: {  	[dreg:$0x0] =	wrdreg $0xFFFFFFFF;
	(pc) =	sbr.abs _section_cstart, $3  }
0xc1: {  	[dreg:$0x1] =	wrdreg $0xFFFFFFFF  }
0xc2: {  	_ =	task.clear_ibuf [dreg:s7], $0x2FFFF;
	_ =	strace $0x9FFFFFFF  }
0xc3: {  	(tm) =	ssettm $0x7FFFFFFF  }
tec
execute0_lowered:
.L_overlay_start_1:
0x0: {  	(tag) =	ssettag $0x1  }
0x1: {  	s4 =	rddreg [dreg:$0x0]  }
0x2: {  	s5 =	rddreg [dreg:$0x1]  }
0x3: {  	s2 =	rddreg [dreg:$0x2]  }
0x4: {  	s1 =	stileid.u32;
	s0 =	rddreg [dreg:$0x3]  }
0x5: {  	s3 =	simm.s32 $0x0;
	s7 =	srdreg.scid;
	s14 =	simm.s32 $0x6800  }
0x6: {  	s15 =	simm.s32 $0x1;
	s16 =	simm.s32 $0x2;
	s17 =	simm.s32 $0x0  }
0x7: {  	s6 =	smul.u32 $0x3E80, s1;
	[smem:$0x7FF] =	sst s3;
	s7 =	sand.u32 $0x1, s7  }
0x8: {  	s8 =	sshll.u32 s1, $0x1;
	s9 =	smul.u32 $0x7D000, s1;
	s10 =	sadd.s32 $0x29A800, s4  }
0x9: {  	s29 =	smul.u32 $0x4E200, s1;
	p0 =	sgt.u32 s1, $0x9;
	_ =	strace $0x80000047  }
0xa: {  	s25 =	ssub.s32 $0x2, s7;
	s8 =	sor.u32 s7, s8;
	s31 =	smul.u32 $0x27100, s7  }
0xb: {  	s6 =	sadd.s32 s6, s4;
	s11 =	sshrl.u32 s25, $0x1;
	s9 =	sshrl.u32 s9, $0x2  }
0xc: {  	s12 =	smul.u32 $0x138800, s8;
	s26 =	sshll.u32 s8, $0xB;
	s11 =	ssub.s32 s25, s11  }
0xd: {  	s13 =	sadd.s32 s9, s2;
	s4 =	sadd.s32 $0x2600, s6;
	s5 =	sadd.s32 s5, s26  }
0xe: {  	s9 =	sadd.s32 s29, s10;
	s28 =	sshrl.u32 s12, $0x3;
	s7 =	smax.u32 s11, $0x1  }
0xf: {  	s8 =	sadd.s32 s31, s9;
	s9 =	sshll.u32 @!p0 s1, $0x6;
	s11 =	simm.s32 $0x3  }
0x10: {  	s12 =	simm.s32 $0x50;
	s30 =	sadd.s32 s10, s28;
	s9 =	sor.u32 @!p0 $0x1C03, s9  }
0x11: {  	s10 =	sshrl.u32 @!p0 s13, $0x3;
	s13 =	simm.s32 $0x4000;
	s6 =	sadd.s32 $0x26C00, s30  }
.LBB2_1:
0x12: {  	[spmem:s10], [sflag:s9] =	dma.local @!p0 [hbm:s4], $0x3E80  }
0x13: {  	s18 =	simm.s32 @!p0 $0x3  }
0x14: {  	_ =	swait.ge @!p0 [sflag:s18], $0x3E80  }
0x15: {  	[sflag:s18] =	ssyncset.done @!p0 $0x0  }
0x16: {  	[sflag:s18] =	ssyncadd.s32 @!p0 $0xFFFFC180  }
0x17: {  	[bflag:$0x0] =	sbarrier.arrive $0xFFFF  }
0x18: {  	[tilespmem:s3], [sflag:$0x3] =	stream.linear.gather [hbm4b:s5+s3], $0x3E80, $0x38;
	[tilespmem:$0x1C880] =	vst v63  }
0x19: {  	_ =	swait.ge [sflag:s11], $0x3E80  }
0x1a: {  	[sflag:s11] =	ssyncset.done $0x0  }
0x1b: {  	[sflag:s11] =	ssyncadd.s32 $0xFFFFC180  }
0x1c: {  	[tilespmem:s13], [sflag:$0x1] =	stream.indirect.gather [spmem:s2], $0x80, s3, s12, $0xb8;
	[tilespmem:$0x1C880] =	vst v63  }
0x1d: {  	s30 =	simm.s32 $0x80  }
0x1e: {  	[tilespmem:s14], [sflag:$0x2] =	stream.indirect.gather [spmem:s2], $0x80, s30, s12, $0xb8;
	[tilespmem:$0x1C880] =	vst v63  }
0x1f: {  	_ =	swait.ge [sflag:s15], $0x2800  }
0x20: {  	[sflag:s15] =	ssyncset.done $0x0  }
0x21: {  	s31 =	sadd.s32 $0x0, s8;
	[sflag:s15] =	ssyncadd.s32 $0xFFFFD800  }
0x22: {  	[hbm4b:s31+s3] =	stream.linear.scatter [tilespmem:s13], [sflag:$0x3], $0x2800, $0x38;
	[tilespmem:$0x1C880] =	vst v63  }
0x23: {  	_ =	swait.ge [sflag:s11], $0x2800  }
0x24: {  	[sflag:s11] =	ssyncset.done $0x0  }
0x25: {  	s19 =	simm.s32 $0x100;
	[sflag:s11] =	ssyncadd.s32 $0xFFFFD800  }
0x26: {  	[tilespmem:s13], [sflag:$0x1] =	stream.indirect.gather [spmem:s2], $0x80, s19, s12, $0xb8;
	[tilespmem:$0x1C880] =	vst v63  }
0x27: {  	_ =	swait.ge [sflag:s16], $0x2800  }
0x28: {  	[sflag:s16] =	ssyncset.done $0x0  }
0x29: {  	s18 =	sadd.s32 $0x500, s31;
	[sflag:s16] =	ssyncadd.s32 $0xFFFFD800  }
0x2a: {  	[hbm4b:s18+s3] =	stream.linear.scatter [tilespmem:s14], [sflag:$0x3], $0x2800, $0x38;
	[tilespmem:$0x1C880] =	vst v63  }
0x2b: {  	s20 =	simm.s32 $0x1400;
	_ =	swait.ge [sflag:s11], $0x2800  }
0x2c: {  	s19 =	simm.s32 $0xA00;
	s18 =	simm.s32 $0x200;
	[sflag:s11] =	ssyncset.done $0x0  }
.LBB2_2:
0x2d: {  	p1 =	sne.s32 s20, $0x26200;
	s21 =	sadd.s32 $0xFFFFFF80, s18;
	[sflag:s11] =	ssyncadd.s32 $0xFFFFD800  }
0x2e: {  	[tilespmem:s14], [sflag:$0x2] =	stream.indirect.gather [spmem:s2], $0x80, s21, s12, $0xb8;
	[tilespmem:$0x1C880] =	vst v63  }
0x2f: {  	s21 =	smov.u32 s20;
	s20 =	sadd.s32 $0xA00, s20;
	_ =	swait.ge [sflag:s15], $0x2800  }
0x30: {  	[sflag:s15] =	ssyncset.done $0x0  }
0x31: {  	s22 =	sadd.s32 s19, s8;
	s19 =	smov.u32 s21;
	[sflag:s15] =	ssyncadd.s32 $0xFFFFD800  }
0x32: {  	[hbm4b:s22+s3] =	stream.linear.scatter [tilespmem:s13], [sflag:$0x3], $0x2800, $0x38;
	[tilespmem:$0x1C880] =	vst v63  }
0x33: {  	_ =	swait.ge [sflag:s11], $0x2800  }
0x34: {  	[sflag:s11] =	ssyncset.done $0x0  }
0x35: {  	[sflag:s11] =	ssyncadd.s32 $0xFFFFD800  }
0x36: {  	[tilespmem:s13], [sflag:$0x1] =	stream.indirect.gather [spmem:s2], $0x80, s18, s12, $0xb8;
	[tilespmem:$0x1C880] =	vst v63  }
0x37: {  	_ =	swait.ge [sflag:s16], $0x2800  }
.Ltmp0:
0x38: {  	[sflag:s16] =	ssyncset.done $0x0;
	(pc) =	sbr.rel @p1 .LBB2_2-.Ltmp0, $4  }
0x39: {  	s21 =	sadd.s32 $0x500, s22;
	[sflag:s16] =	ssyncadd.s32 $0xFFFFD800  }
0x3a: {  	[hbm4b:s21+s3] =	stream.linear.scatter [tilespmem:s14], [sflag:$0x3], $0x2800, $0x38;
	[tilespmem:$0x1C880] =	vst v63  }
0x3b: {  	_ =	swait.ge [sflag:s11], $0x2800  }
0x3c: {  	s18 =	sadd.s32 $0x100, s18;
	[sflag:s11] =	ssyncset.done $0x0  }
0x3d: {  	s20 =	sadd.s32 $0xFFFFFF80, s18;
	[sflag:s11] =	ssyncadd.s32 $0xFFFFD800  }
0x3e: {  	[tilespmem:s14], [sflag:$0x2] =	stream.indirect.gather [spmem:s2], $0x80, s20, s12, $0xb8;
	[tilespmem:$0x1C880] =	vst v63  }
0x3f: {  	_ =	swait.ge [sflag:s15], $0x2800  }
0x40: {  	[sflag:s15] =	ssyncset.done $0x0  }
0x41: {  	s19 =	sadd.s32 s19, s8;
	[sflag:s15] =	ssyncadd.s32 $0xFFFFD800  }
0x42: {  	[hbm4b:s19+s3] =	stream.linear.scatter [tilespmem:s13], [sflag:$0x3], $0x2800, $0x38;
	[tilespmem:$0x1C880] =	vst v63  }
0x43: {  	_ =	swait.ge [sflag:s11], $0x2800  }
0x44: {  	[sflag:s11] =	ssyncset.done $0x0  }
0x45: {  	[sflag:s11] =	ssyncadd.s32 $0xFFFFD800  }
0x46: {  	[tilespmem:s13], [sflag:$0x1] =	stream.indirect.gather [spmem:s2], $0x80, s18, s12, $0xb8;
	[tilespmem:$0x1C880] =	vst v63  }
0x47: {  	_ =	swait.ge [sflag:s16], $0x2800  }
0x48: {  	[sflag:s16] =	ssyncset.done $0x0  }
0x49: {  	s31 =	sadd.s32 $0x500, s19;
	[sflag:s16] =	ssyncadd.s32 $0xFFFFD800  }
0x4a: {  	[hbm4b:s31+s3] =	stream.linear.scatter [tilespmem:s14], [sflag:$0x3], $0x2800, $0x38;
	[tilespmem:$0x1C880] =	vst v63  }
0x4b: {  	_ =	swait.ge [sflag:s11], $0x2800  }
0x4c: {  	[sflag:s11] =	ssyncset.done $0x0  }
0x4d: {  	[sflag:s11] =	ssyncadd.s32 $0xFFFFD800  }
0x4e: {  	s17 =	sadd.s32 $0x1, s17;
	_ =	swait.ge [sflag:s15], $0x2800  }
0x4f: {  	p1 =	sne.s32 s17, s7;
	[sflag:s15] =	ssyncset.done $0x0  }
.Ltmp1:
0x50: {  	[sflag:s15] =	ssyncadd.s32 $0xFFFFD800;
	(pc) =	sbr.rel @p1 .LBB2_1-.Ltmp1, $4  }
0x51: {  	[hbm4b:s6+s3] =	stream.linear.scatter [tilespmem:s13], [sflag:$0x3], $0x2800, $0x38;
	[tilespmem:$0x1C880] =	vst v63  }
0x52: {  	_ =	swait.ge [sflag:s11], $0x2800  }
0x53: {  	[sflag:s11] =	ssyncset.done $0x0  }
0x54: {  	[sflag:s11] =	ssyncadd.s32 $0xFFFFD800  }
0x55: {  	_ =	sfence.sel $0x180000  }
0x56: {  	[bflag:$0x0] =	sbarrier.arrive $0xFFFF  }
0x57: {  	p0 =	sne.s32 s1, $0x0;
	_ =	strace $0x90000047  }
0x58: {  	s0 =	sadd.s32 @!p0 $0x100000, s0;
	[bflag:$0x2] =	sbarrier.arrive $0xFFFF  }
0x59: {  	[sflag:s0] =	ssyncadd.tile.s32 @!p0 $0x1;
	_ =	shalt  }
.Lfunc_end2:
_tile_overlayer_lowered:
.L_overlay_start_2:
0x5a: {  	(tag) =	ssettag $0x2  }
0x5b: {  	s0 =	rddreg [dreg:$0x0];
	s2 =	stileid.u32  }
0x5c: {  	s1 =	rddreg [dreg:$0x1];
	p0 =	sne.s32 s2, $0x0  }
0x5d: {  	s3 =	rddreg [dreg:$0x2];
	[bflag:$0x3] =	sbarrier.arrive $0xFFFF;
	s2 =	simm.s32 @!p0 $0x1C03  }
0x5e: {  	[timem:s3], [sflag:s2] =	dma.local @!p0 [hbm:s0], s1  }
0x5f: {  	s0 =	simm.s32 @!p0 $0x3  }
0x60: {  	_ =	swait.ge @!p0 [sflag:s0], s1  }
0x61: {  	s1 =	ssub.s32 @!p0 $0x0, s1;
	[sflag:s0] =	ssyncset.done @!p0 $0x0  }
0x62: {  	[sflag:s0] =	ssyncadd.s32 @!p0 s1  }
0x63: {  	[bflag:$0x3] =	sbarrier.arrive $0xFFFF  }
0x64: {  	_ =	shalt  }

</sc_bundles>
